<compile_context>
chip_gen: v7x
topology: tpu7x:2x2x1
jax: 0.10.2.dev20260603
libtpu: 0.0.44.dev20260713+nightly
codegen_flags: <defaults>
</compile_context>

<pallas_src>
import jax
import jax.numpy as jnp
from jax import lax
from jax.experimental import pallas as pl
from jax.experimental.pallas import tpu as pltpu
from jax.experimental.pallas import tpu_sc as plsc

_N = 16384
_D = 4
_L = 16
_NC = 2
_NW = 32
_WPR = _NW // _D
_CHUNK = _N // _WPR


def _sc_body(w1_hbm, w2_hbm, out_hbm, w1_v, w2_v, out_v, sem):
    wid = lax.axis_index("s") * _NC + lax.axis_index("c")
    row = jnp.right_shift(wid, 3)
    col0 = jnp.bitwise_and(wid, _WPR - 1) * _CHUNK
    cp1 = pltpu.async_copy(w1_hbm, w1_v, sem)
    cp2 = pltpu.async_copy(w2_hbm, w2_v, sem)
    cp1.wait()
    cp2.wait()
    zero = jnp.zeros((_L,), jnp.int32)
    ridx = jnp.full((_L,), row, jnp.int32)
    v1 = plsc.load_gather(w1_v, [zero, ridx])
    v2 = plsc.load_gather(w2_v, [zero, ridx])
    vec = jnp.sign(v1) * jnp.sign(v2)
    for i in range(_CHUNK // _L):
        out_v[pl.ds(i * _L, _L)] = vec
    pltpu.sync_copy(out_v, out_hbm.at[row, pl.ds(col0, _CHUNK)])


@jax.jit
def _run(w1, w2):
    mesh = plsc.VectorSubcoreMesh(core_axis_name="c", subcore_axis_name="s")
    out_t = pl.kernel(
        _sc_body,
        out_type=jax.ShapeDtypeStruct((_D, _N), jnp.float32),
        mesh=mesh,
        compiler_params=pltpu.CompilerParams(needs_layout_passes=False),
        scratch_types=[
            pltpu.VMEM((1, _D), jnp.float32),
            pltpu.VMEM((1, _D), jnp.float32),
            pltpu.VMEM((_CHUNK,), jnp.float32),
            pltpu.SemaphoreType.DMA,
        ],
    )(w1, w2)
    return out_t.T


def kernel(input, data1_weight, data2_weight):
    del input
    return _run(data1_weight, data2_weight)

# --- scband reference (transcript-rebuilt; emitter-appended) ---
"""Pipeline reference for scband-circuit-90434831384610 (READ-ONLY COPY).

The authoritative reference and input builder live on the scoring server;
editing this copy changes nothing except your own understanding.
"""

import jax, jax.numpy as jnp
import numpy as np


def _sgn(x):
    # Sgn custom autograd: forward = sign(x)
    return jnp.sign(x)


def setup_inputs(seed: int = 0) -> dict:
    key = jax.random.key(seed)
    k1, k2, k3 = jax.random.split(key, 3)
    # Embedding(1, 4) -> only valid index is 0
    inp = jax.random.randint(k1, (16384,), 0, 1, dtype=jnp.int32)
    data1_weight = jax.random.normal(k2, (1, 4), dtype=jnp.float32)
    data2_weight = jax.random.normal(k3, (1, 4), dtype=jnp.float32)
    return {"input": inp, "data1_weight": data1_weight, "data2_weight": data2_weight}


def reference(input, data1_weight, data2_weight):
    # EMB: two embedding lookups followed by Sgn activation
    x1 = _sgn(jnp.take(data1_weight, input, axis=0))
    x2 = _sgn(jnp.take(data2_weight, input, axis=0))
    # Multiplier(4): elementwise product of the two 4-wide sign vectors
    out = x1 * x2
    return out

if __name__ == "__main__":
    import jax
    _d = setup_inputs()
    print(jax.jit(kernel)(*tuple(_d.values())))

</pallas_src>

<mosaic_0001>
#map = affine_map<(d0, d1) -> (0, 0)>
module attributes {stable_mosaic.version = 14 : i64} {
  func.func @_sc_body(%arg0: i32, %arg1: i32, %arg2: memref<1x4xf32, #tpu.memory_space<hbm>>, %arg3: memref<1x4xf32, #tpu.memory_space<hbm>>, %arg4: memref<4x16384xf32, #tpu.memory_space<hbm>>, %arg5: memref<1x4xf32, #tpu.memory_space<vmem>>, %arg6: memref<1x4xf32, #tpu.memory_space<vmem>>, %arg7: memref<2048xf32, #tpu.memory_space<vmem>>, %arg8: memref<!tpu.dma_semaphore, #tpu.memory_space<semaphore_mem>>) attributes {dimension_semantics = [#tpu.dimension_semantics<core_parallel>, #tpu.dimension_semantics<subcore_parallel>], iteration_bounds = array<i64: 2, 16>, scalar_prefetch = 0 : i64, scratch_operands = 4 : i64, tpu.core_type = #tpu.core_type<sc_vector_subcore>, window_params = [{transform_indices = #map}, {transform_indices = #map}, {transform_indices = #map}]} {
    %mul3A = arith.constant 2 : i32
    %mul3A_0 = arith.muli %arg1, %mul3A : i32
    %add3A = arith.addi %mul3A_0, %arg0 : i32
    %shift_right_arithmetic3A = arith.constant 3 : i32
    %shift_right_arithmetic3A_1 = arith.shrsi %add3A, %shift_right_arithmetic3A : i32
    %and3A = arith.constant 7 : i32
    %and3A_2 = arith.andi %add3A, %and3A : i32
    %mul3A_3 = arith.constant 2048 : i32
    %mul3A_4 = arith.muli %and3A_2, %mul3A_3 : i32
    tpu.enqueue_dma source(%arg2 : memref<1x4xf32, #tpu.memory_space<hbm>>) target(%arg5 : memref<1x4xf32, #tpu.memory_space<vmem>>) target_semaphore(%arg8 : memref<!tpu.dma_semaphore, #tpu.memory_space<semaphore_mem>>)
    tpu.enqueue_dma source(%arg3 : memref<1x4xf32, #tpu.memory_space<hbm>>) target(%arg6 : memref<1x4xf32, #tpu.memory_space<vmem>>) target_semaphore(%arg8 : memref<!tpu.dma_semaphore, #tpu.memory_space<semaphore_mem>>)
    tpu.wait_dma2 semaphore(%arg8 : memref<!tpu.dma_semaphore, #tpu.memory_space<semaphore_mem>>) src(%arg2 : memref<1x4xf32, #tpu.memory_space<hbm>>) dst(%arg5 : memref<1x4xf32, #tpu.memory_space<vmem>>)
    tpu.wait_dma2 semaphore(%arg8 : memref<!tpu.dma_semaphore, #tpu.memory_space<semaphore_mem>>) src(%arg3 : memref<1x4xf32, #tpu.memory_space<hbm>>) dst(%arg6 : memref<1x4xf32, #tpu.memory_space<vmem>>)
    %broadcast_in_dim3A = arith.constant 0 : i32
    %broadcast_in_dim3A_5 = vector.broadcast %broadcast_in_dim3A : i32 to vector<16xi32>
    %broadcast_in_dim3A_6 = vector.broadcast %shift_right_arithmetic3A_1 : i32 to vector<16xi32>
    %gather3A = tpu.vector_load_idx %arg5[%broadcast_in_dim3A_5, %broadcast_in_dim3A_6] : memref<1x4xf32, #tpu.memory_space<vmem>>[vector<16xi32>, vector<16xi32>], vector<16xf32>,
    %gather3A_7 = tpu.vector_load_idx %arg6[%broadcast_in_dim3A_5, %broadcast_in_dim3A_6] : memref<1x4xf32, #tpu.memory_space<vmem>>[vector<16xi32>, vector<16xi32>], vector<16xf32>,
    %sign3A = tpu.bitcast %gather3A : vector<16xf32> -> vector<16xi32>
    %sign3A_8 = arith.constant -2147483648 : i32
    %sign3A_9 = vector.broadcast %sign3A_8 : i32 to vector<16xi32>
    %sign3A_10 = arith.andi %sign3A, %sign3A_9 : vector<16xi32>
    %sign3A_11 = arith.constant 1065353216 : i32
    %sign3A_12 = vector.broadcast %sign3A_11 : i32 to vector<16xi32>
    %sign3A_13 = arith.ori %sign3A_12, %sign3A_10 : vector<16xi32>
    %sign3A_14 = tpu.bitcast %sign3A_13 : vector<16xi32> -> vector<16xf32>
    %sign3A_15 = math.absf %gather3A : vector<16xf32>
    %sign3A_16 = arith.constant 0.000000e+00 : f32
    %sign3A_17 = vector.broadcast %sign3A_16 : f32 to vector<16xf32>
    %sign3A_18 = arith.cmpf ogt, %sign3A_15, %sign3A_17 : vector<16xf32>
    %sign3A_19 = arith.select %sign3A_18, %sign3A_14, %gather3A : vector<16xi1>, vector<16xf32>
    %sign3A_20 = tpu.bitcast %gather3A_7 : vector<16xf32> -> vector<16xi32>
    %sign3A_21 = arith.constant -2147483648 : i32
    %sign3A_22 = vector.broadcast %sign3A_21 : i32 to vector<16xi32>
    %sign3A_23 = arith.andi %sign3A_20, %sign3A_22 : vector<16xi32>
    %sign3A_24 = arith.constant 1065353216 : i32
    %sign3A_25 = vector.broadcast %sign3A_24 : i32 to vector<16xi32>
    %sign3A_26 = arith.ori %sign3A_25, %sign3A_23 : vector<16xi32>
    %sign3A_27 = tpu.bitcast %sign3A_26 : vector<16xi32> -> vector<16xf32>
    %sign3A_28 = math.absf %gather3A_7 : vector<16xf32>
    %sign3A_29 = arith.constant 0.000000e+00 : f32
    %sign3A_30 = vector.broadcast %sign3A_29 : f32 to vector<16xf32>
    %sign3A_31 = arith.cmpf ogt, %sign3A_28, %sign3A_30 : vector<16xf32>
    %sign3A_32 = arith.select %sign3A_31, %sign3A_27, %gather3A_7 : vector<16xi1>, vector<16xf32>
    %mul3A_33 = arith.mulf %sign3A_19, %sign3A_32 : vector<16xf32>
    %swap3A = arith.constant 0 : index
    %swap3A_34 = tpu.vector_load %arg7[%swap3A] {strides = array<i32>} : memref<2048xf32, #tpu.memory_space<vmem>>, vector<16xf32>,
    tpu.vector_store %arg7[%swap3A], %mul3A_33 {strides = array<i32>} : memref<2048xf32, #tpu.memory_space<vmem>>, vector<16xf32>,
    %swap3A_35 = arith.constant 16 : index
    %swap3A_36 = tpu.vector_load %arg7[%swap3A_35] {strides = array<i32>} : memref<2048xf32, #tpu.memory_space<vmem>>, vector<16xf32>,
    tpu.vector_store %arg7[%swap3A_35], %mul3A_33 {strides = array<i32>} : memref<2048xf32, #tpu.memory_space<vmem>>, vector<16xf32>,
    %swap3A_37 = arith.constant 32 : index
    %swap3A_38 = tpu.vector_load %arg7[%swap3A_37] {strides = array<i32>} : memref<2048xf32, #tpu.memory_space<vmem>>, vector<16xf32>,
    tpu.vector_store %arg7[%swap3A_37], %mul3A_33 {strides = array<i32>} : memref<2048xf32, #tpu.memory_space<vmem>>, vector<16xf32>,
    %swap3A_39 = arith.constant 48 : index
    %swap3A_40 = tpu.vector_load %arg7[%swap3A_39] {strides = array<i32>} : memref<2048xf32, #tpu.memory_space<vmem>>, vector<16xf32>,
    tpu.vector_store %arg7[%swap3A_39], %mul3A_33 {strides = array<i32>} : memref<2048xf32, #tpu.memory_space<vmem>>, vector<16xf32>,
    %swap3A_41 = arith.constant 64 : index
    %swap3A_42 = tpu.vector_load %arg7[%swap3A_41] {strides = array<i32>} : memref<2048xf32, #tpu.memory_space<vmem>>, vector<16xf32>,
    tpu.vector_store %arg7[%swap3A_41], %mul3A_33 {strides = array<i32>} : memref<2048xf32, #tpu.memory_space<vmem>>, vector<16xf32>,
    %swap3A_43 = arith.constant 80 : index
    %swap3A_44 = tpu.vector_load %arg7[%swap3A_43] {strides = array<i32>} : memref<2048xf32, #tpu.memory_space<vmem>>, vector<16xf32>,
    tpu.vector_store %arg7[%swap3A_43], %mul3A_33 {strides = array<i32>} : memref<2048xf32, #tpu.memory_space<vmem>>, vector<16xf32>,
    %swap3A_45 = arith.constant 96 : index
    %swap3A_46 = tpu.vector_load %arg7[%swap3A_45] {strides = array<i32>} : memref<2048xf32, #tpu.memory_space<vmem>>, vector<16xf32>,
    tpu.vector_store %arg7[%swap3A_45], %mul3A_33 {strides = array<i32>} : memref<2048xf32, #tpu.memory_space<vmem>>, vector<16xf32>,
    %swap3A_47 = arith.constant 112 : index
    %swap3A_48 = tpu.vector_load %arg7[%swap3A_47] {strides = array<i32>} : memref<2048xf32, #tpu.memory_space<vmem>>, vector<16xf32>,
    tpu.vector_store %arg7[%swap3A_47], %mul3A_33 {strides = array<i32>} : memref<2048xf32, #tpu.memory_space<vmem>>, vector<16xf32>,
    %swap3A_49 = arith.constant 128 : index
    %swap3A_50 = tpu.vector_load %arg7[%swap3A_49] {strides = array<i32>} : memref<2048xf32, #tpu.memory_space<vmem>>, vector<16xf32>,
    tpu.vector_store %arg7[%swap3A_49], %mul3A_33 {strides = array<i32>} : memref<2048xf32, #tpu.memory_space<vmem>>, vector<16xf32>,
    %swap3A_51 = arith.constant 144 : index
    %swap3A_52 = tpu.vector_load %arg7[%swap3A_51] {strides = array<i32>} : memref<2048xf32, #tpu.memory_space<vmem>>, vector<16xf32>,
    tpu.vector_store %arg7[%swap3A_51], %mul3A_33 {strides = array<i32>} : memref<2048xf32, #tpu.memory_space<vmem>>, vector<16xf32>,
    %swap3A_53 = arith.constant 160 : index
    %swap3A_54 = tpu.vector_load %arg7[%swap3A_53] {strides = array<i32>} : memref<2048xf32, #tpu.memory_space<vmem>>, vector<16xf32>,
    tpu.vector_store %arg7[%swap3A_53], %mul3A_33 {strides = array<i32>} : memref<2048xf32, #tpu.memory_space<vmem>>, vector<16xf32>,
    %swap3A_55 = arith.constant 176 : index
    %swap3A_56 = tpu.vector_load %arg7[%swap3A_55] {strides = array<i32>} : memref<2048xf32, #tpu.memory_space<vmem>>, vector<16xf32>,
    tpu.vector_store %arg7[%swap3A_55], %mul3A_33 {strides = array<i32>} : memref<2048xf32, #tpu.memory_space<vmem>>, vector<16xf32>,
    %swap3A_57 = arith.constant 192 : index
    %swap3A_58 = tpu.vector_load %arg7[%swap3A_57] {strides = array<i32>} : memref<2048xf32, #tpu.memory_space<vmem>>, vector<16xf32>,
    tpu.vector_store %arg7[%swap3A_57], %mul3A_33 {strides = array<i32>} : memref<2048xf32, #tpu.memory_space<vmem>>, vector<16xf32>,
    %swap3A_59 = arith.constant 208 : index
    %swap3A_60 = tpu.vector_load %arg7[%swap3A_59] {strides = array<i32>} : memref<2048xf32, #tpu.memory_space<vmem>>, vector<16xf32>,
    tpu.vector_store %arg7[%swap3A_59], %mul3A_33 {strides = array<i32>} : memref<2048xf32, #tpu.memory_space<vmem>>, vector<16xf32>,
    %swap3A_61 = arith.constant 224 : index
    %swap3A_62 = tpu.vector_load %arg7[%swap3A_61] {strides = array<i32>} : memref<2048xf32, #tpu.memory_space<vmem>>, vector<16xf32>,
    tpu.vector_store %arg7[%swap3A_61], %mul3A_33 {strides = array<i32>} : memref<2048xf32, #tpu.memory_space<vmem>>, vector<16xf32>,
    %swap3A_63 = arith.constant 240 : index
    %swap3A_64 = tpu.vector_load %arg7[%swap3A_63] {strides = array<i32>} : memref<2048xf32, #tpu.memory_space<vmem>>, vector<16xf32>,
    tpu.vector_store %arg7[%swap3A_63], %mul3A_33 {strides = array<i32>} : memref<2048xf32, #tpu.memory_space<vmem>>, vector<16xf32>,
    %swap3A_65 = arith.constant 256 : index
    %swap3A_66 = tpu.vector_load %arg7[%swap3A_65] {strides = array<i32>} : memref<2048xf32, #tpu.memory_space<vmem>>, vector<16xf32>,
    tpu.vector_store %arg7[%swap3A_65], %mul3A_33 {strides = array<i32>} : memref<2048xf32, #tpu.memory_space<vmem>>, vector<16xf32>,
    %swap3A_67 = arith.constant 272 : index
    %swap3A_68 = tpu.vector_load %arg7[%swap3A_67] {strides = array<i32>} : memref<2048xf32, #tpu.memory_space<vmem>>, vector<16xf32>,
    tpu.vector_store %arg7[%swap3A_67], %mul3A_33 {strides = array<i32>} : memref<2048xf32, #tpu.memory_space<vmem>>, vector<16xf32>,
    %swap3A_69 = arith.constant 288 : index
    %swap3A_70 = tpu.vector_load %arg7[%swap3A_69] {strides = array<i32>} : memref<2048xf32, #tpu.memory_space<vmem>>, vector<16xf32>,
    tpu.vector_store %arg7[%swap3A_69], %mul3A_33 {strides = array<i32>} : memref<2048xf32, #tpu.memory_space<vmem>>, vector<16xf32>,
    %swap3A_71 = arith.constant 304 : index
    %swap3A_72 = tpu.vector_load %arg7[%swap3A_71] {strides = array<i32>} : memref<2048xf32, #tpu.memory_space<vmem>>, vector<16xf32>,
    tpu.vector_store %arg7[%swap3A_71], %mul3A_33 {strides = array<i32>} : memref<2048xf32, #tpu.memory_space<vmem>>, vector<16xf32>,
    %swap3A_73 = arith.constant 320 : index
    %swap3A_74 = tpu.vector_load %arg7[%swap3A_73] {strides = array<i32>} : memref<2048xf32, #tpu.memory_space<vmem>>, vector<16xf32>,
    tpu.vector_store %arg7[%swap3A_73], %mul3A_33 {strides = array<i32>} : memref<2048xf32, #tpu.memory_space<vmem>>, vector<16xf32>,
    %swap3A_75 = arith.constant 336 : index
    %swap3A_76 = tpu.vector_load %arg7[%swap3A_75] {strides = array<i32>} : memref<2048xf32, #tpu.memory_space<vmem>>, vector<16xf32>,
    tpu.vector_store %arg7[%swap3A_75], %mul3A_33 {strides = array<i32>} : memref<2048xf32, #tpu.memory_space<vmem>>, vector<16xf32>,
    %swap3A_77 = arith.constant 352 : index
    %swap3A_78 = tpu.vector_load %arg7[%swap3A_77] {strides = array<i32>} : memref<2048xf32, #tpu.memory_space<vmem>>, vector<16xf32>,
    tpu.vector_store %arg7[%swap3A_77], %mul3A_33 {strides = array<i32>} : memref<2048xf32, #tpu.memory_space<vmem>>, vector<16xf32>,
    %swap3A_79 = arith.constant 368 : index
    %swap3A_80 = tpu.vector_load %arg7[%swap3A_79] {strides = array<i32>} : memref<2048xf32, #tpu.memory_space<vmem>>, vector<16xf32>,
    tpu.vector_store %arg7[%swap3A_79], %mul3A_33 {strides = array<i32>} : memref<2048xf32, #tpu.memory_space<vmem>>, vector<16xf32>,
    %swap3A_81 = arith.constant 384 : index
    %swap3A_82 = tpu.vector_load %arg7[%swap3A_81] {strides = array<i32>} : memref<2048xf32, #tpu.memory_space<vmem>>, vector<16xf32>,
    tpu.vector_store %arg7[%swap3A_81], %mul3A_33 {strides = array<i32>} : memref<2048xf32, #tpu.memory_space<vmem>>, vector<16xf32>,
    %swap3A_83 = arith.constant 400 : index
    %swap3A_84 = tpu.vector_load %arg7[%swap3A_83] {strides = array<i32>} : memref<2048xf32, #tpu.memory_space<vmem>>, vector<16xf32>,
    tpu.vector_store %arg7[%swap3A_83], %mul3A_33 {strides = array<i32>} : memref<2048xf32, #tpu.memory_space<vmem>>, vector<16xf32>,
    %swap3A_85 = arith.constant 416 : index
    %swap3A_86 = tpu.vector_load %arg7[%swap3A_85] {strides = array<i32>} : memref<2048xf32, #tpu.memory_space<vmem>>, vector<16xf32>,
    tpu.vector_store %arg7[%swap3A_85], %mul3A_33 {strides = array<i32>} : memref<2048xf32, #tpu.memory_space<vmem>>, vector<16xf32>,
    %swap3A_87 = arith.constant 432 : index
    %swap3A_88 = tpu.vector_load %arg7[%swap3A_87] {strides = array<i32>} : memref<2048xf32, #tpu.memory_space<vmem>>, vector<16xf32>,
    tpu.vector_store %arg7[%swap3A_87], %mul3A_33 {strides = array<i32>} : memref<2048xf32, #tpu.memory_space<vmem>>, vector<16xf32>,
    %swap3A_89 = arith.constant 448 : index
    %swap3A_90 = tpu.vector_load %arg7[%swap3A_89] {strides = array<i32>} : memref<2048xf32, #tpu.memory_space<vmem>>, vector<16xf32>,
    tpu.vector_store %arg7[%swap3A_89], %mul3A_33 {strides = array<i32>} : memref<2048xf32, #tpu.memory_space<vmem>>, vector<16xf32>,
    %swap3A_91 = arith.constant 464 : index
    %swap3A_92 = tpu.vector_load %arg7[%swap3A_91] {strides = array<i32>} : memref<2048xf32, #tpu.memory_space<vmem>>, vector<16xf32>,
    tpu.vector_store %arg7[%swap3A_91], %mul3A_33 {strides = array<i32>} : memref<2048xf32, #tpu.memory_space<vmem>>, vector<16xf32>,
    %swap3A_93 = arith.constant 480 : index
    %swap3A_94 = tpu.vector_load %arg7[%swap3A_93] {strides = array<i32>} : memref<2048xf32, #tpu.memory_space<vmem>>, vector<16xf32>,
    tpu.vector_store %arg7[%swap3A_93], %mul3A_33 {strides = array<i32>} : memref<2048xf32, #tpu.memory_space<vmem>>, vector<16xf32>,
    %swap3A_95 = arith.constant 496 : index
    %swap3A_96 = tpu.vector_load %arg7[%swap3A_95] {strides = array<i32>} : memref<2048xf32, #tpu.memory_space<vmem>>, vector<16xf32>,
    tpu.vector_store %arg7[%swap3A_95], %mul3A_33 {strides = array<i32>} : memref<2048xf32, #tpu.memory_space<vmem>>, vector<16xf32>,
    %swap3A_97 = arith.constant 512 : index
    %swap3A_98 = tpu.vector_load %arg7[%swap3A_97] {strides = array<i32>} : memref<2048xf32, #tpu.memory_space<vmem>>, vector<16xf32>,
    tpu.vector_store %arg7[%swap3A_97], %mul3A_33 {strides = array<i32>} : memref<2048xf32, #tpu.memory_space<vmem>>, vector<16xf32>,
    %swap3A_99 = arith.constant 528 : index
    %swap3A_100 = tpu.vector_load %arg7[%swap3A_99] {strides = array<i32>} : memref<2048xf32, #tpu.memory_space<vmem>>, vector<16xf32>,
    tpu.vector_store %arg7[%swap3A_99], %mul3A_33 {strides = array<i32>} : memref<2048xf32, #tpu.memory_space<vmem>>, vector<16xf32>,
    %swap3A_101 = arith.constant 544 : index
    %swap3A_102 = tpu.vector_load %arg7[%swap3A_101] {strides = array<i32>} : memref<2048xf32, #tpu.memory_space<vmem>>, vector<16xf32>,
    tpu.vector_store %arg7[%swap3A_101], %mul3A_33 {strides = array<i32>} : memref<2048xf32, #tpu.memory_space<vmem>>, vector<16xf32>,
    %swap3A_103 = arith.constant 560 : index
    %swap3A_104 = tpu.vector_load %arg7[%swap3A_103] {strides = array<i32>} : memref<2048xf32, #tpu.memory_space<vmem>>, vector<16xf32>,
    tpu.vector_store %arg7[%swap3A_103], %mul3A_33 {strides = array<i32>} : memref<2048xf32, #tpu.memory_space<vmem>>, vector<16xf32>,
    %swap3A_105 = arith.constant 576 : index
    %swap3A_106 = tpu.vector_load %arg7[%swap3A_105] {strides = array<i32>} : memref<2048xf32, #tpu.memory_space<vmem>>, vector<16xf32>,
    tpu.vector_store %arg7[%swap3A_105], %mul3A_33 {strides = array<i32>} : memref<2048xf32, #tpu.memory_space<vmem>>, vector<16xf32>,
    %swap3A_107 = arith.constant 592 : index
    %swap3A_108 = tpu.vector_load %arg7[%swap3A_107] {strides = array<i32>} : memref<2048xf32, #tpu.memory_space<vmem>>, vector<16xf32>,
    tpu.vector_store %arg7[%swap3A_107], %mul3A_33 {strides = array<i32>} : memref<2048xf32, #tpu.memory_space<vmem>>, vector<16xf32>,
    %swap3A_109 = arith.constant 608 : index
    %swap3A_110 = tpu.vector_load %arg7[%swap3A_109] {strides = array<i32>} : memref<2048xf32, #tpu.memory_space<vmem>>, vector<16xf32>,
    tpu.vector_store %arg7[%swap3A_109], %mul3A_33 {strides = array<i32>} : memref<2048xf32, #tpu.memory_space<vmem>>, vector<16xf32>,
    %swap3A_111 = arith.constant 624 : index
    %swap3A_112 = tpu.vector_load %arg7[%swap3A_111] {strides = array<i32>} : memref<2048xf32, #tpu.memory_space<vmem>>, vector<16xf32>,
    tpu.vector_store %arg7[%swap3A_111], %mul3A_33 {strides = array<i32>} : memref<2048xf32, #tpu.memory_space<vmem>>, vector<16xf32>,
    %swap3A_113 = arith.constant 640 : index
    %swap3A_114 = tpu.vector_load %arg7[%swap3A_113] {strides = array<i32>} : memref<2048xf32, #tpu.memory_space<vmem>>, vector<16xf32>,
    tpu.vector_store %arg7[%swap3A_113], %mul3A_33 {strides = array<i32>} : memref<2048xf32, #tpu.memory_space<vmem>>, vector<16xf32>,
    %swap3A_115 = arith.constant 656 : index
    %swap3A_116 = tpu.vector_load %arg7[%swap3A_115] {strides = array<i32>} : memref<2048xf32, #tpu.memory_space<vmem>>, vector<16xf32>,
    tpu.vector_store %arg7[%swap3A_115], %mul3A_33 {strides = array<i32>} : memref<2048xf32, #tpu.memory_space<vmem>>, vector<16xf32>,
    %swap3A_117 = arith.constant 672 : index
    %swap3A_118 = tpu.vector_load %arg7[%swap3A_117] {strides = array<i32>} : memref<2048xf32, #tpu.memory_space<vmem>>, vector<16xf32>,
    tpu.vector_store %arg7[%swap3A_117], %mul3A_33 {strides = array<i32>} : memref<2048xf32, #tpu.memory_space<vmem>>, vector<16xf32>,
    %swap3A_119 = arith.constant 688 : index
    %swap3A_120 = tpu.vector_load %arg7[%swap3A_119] {strides = array<i32>} : memref<2048xf32, #tpu.memory_space<vmem>>, vector<16xf32>,
    tpu.vector_store %arg7[%swap3A_119], %mul3A_33 {strides = array<i32>} : memref<2048xf32, #tpu.memory_space<vmem>>, vector<16xf32>,
    %swap3A_121 = arith.constant 704 : index
    %swap3A_122 = tpu.vector_load %arg7[%swap3A_121] {strides = array<i32>} : memref<2048xf32, #tpu.memory_space<vmem>>, vector<16xf32>,
    tpu.vector_store %arg7[%swap3A_121], %mul3A_33 {strides = array<i32>} : memref<2048xf32, #tpu.memory_space<vmem>>, vector<16xf32>,
    %swap3A_123 = arith.constant 720 : index
    %swap3A_124 = tpu.vector_load %arg7[%swap3A_123] {strides = array<i32>} : memref<2048xf32, #tpu.memory_space<vmem>>, vector<16xf32>,
    tpu.vector_store %arg7[%swap3A_123], %mul3A_33 {strides = array<i32>} : memref<2048xf32, #tpu.memory_space<vmem>>, vector<16xf32>,
    %swap3A_125 = arith.constant 736 : index
    %swap3A_126 = tpu.vector_load %arg7[%swap3A_125] {strides = array<i32>} : memref<2048xf32, #tpu.memory_space<vmem>>, vector<16xf32>,
    tpu.vector_store %arg7[%swap3A_125], %mul3A_33 {strides = array<i32>} : memref<2048xf32, #tpu.memory_space<vmem>>, vector<16xf32>,
    %swap3A_127 = arith.constant 752 : index
    %swap3A_128 = tpu.vector_load %arg7[%swap3A_127] {strides = array<i32>} : memref<2048xf32, #tpu.memory_space<vmem>>, vector<16xf32>,
    tpu.vector_store %arg7[%swap3A_127], %mul3A_33 {strides = array<i32>} : memref<2048xf32, #tpu.memory_space<vmem>>, vector<16xf32>,
    %swap3A_129 = arith.constant 768 : index
    %swap3A_130 = tpu.vector_load %arg7[%swap3A_129] {strides = array<i32>} : memref<2048xf32, #tpu.memory_space<vmem>>, vector<16xf32>,
    tpu.vector_store %arg7[%swap3A_129], %mul3A_33 {strides = array<i32>} : memref<2048xf32, #tpu.memory_space<vmem>>, vector<16xf32>,
    %swap3A_131 = arith.constant 784 : index
    %swap3A_132 = tpu.vector_load %arg7[%swap3A_131] {strides = array<i32>} : memref<2048xf32, #tpu.memory_space<vmem>>, vector<16xf32>,
    tpu.vector_store %arg7[%swap3A_131], %mul3A_33 {strides = array<i32>} : memref<2048xf32, #tpu.memory_space<vmem>>, vector<16xf32>,
    %swap3A_133 = arith.constant 800 : index
    %swap3A_134 = tpu.vector_load %arg7[%swap3A_133] {strides = array<i32>} : memref<2048xf32, #tpu.memory_space<vmem>>, vector<16xf32>,
    tpu.vector_store %arg7[%swap3A_133], %mul3A_33 {strides = array<i32>} : memref<2048xf32, #tpu.memory_space<vmem>>, vector<16xf32>,
    %swap3A_135 = arith.constant 816 : index
    %swap3A_136 = tpu.vector_load %arg7[%swap3A_135] {strides = array<i32>} : memref<2048xf32, #tpu.memory_space<vmem>>, vector<16xf32>,
    tpu.vector_store %arg7[%swap3A_135], %mul3A_33 {strides = array<i32>} : memref<2048xf32, #tpu.memory_space<vmem>>, vector<16xf32>,
    %swap3A_137 = arith.constant 832 : index
    %swap3A_138 = tpu.vector_load %arg7[%swap3A_137] {strides = array<i32>} : memref<2048xf32, #tpu.memory_space<vmem>>, vector<16xf32>,
    tpu.vector_store %arg7[%swap3A_137], %mul3A_33 {strides = array<i32>} : memref<2048xf32, #tpu.memory_space<vmem>>, vector<16xf32>,
    %swap3A_139 = arith.constant 848 : index
    %swap3A_140 = tpu.vector_load %arg7[%swap3A_139] {strides = array<i32>} : memref<2048xf32, #tpu.memory_space<vmem>>, vector<16xf32>,
    tpu.vector_store %arg7[%swap3A_139], %mul3A_33 {strides = array<i32>} : memref<2048xf32, #tpu.memory_space<vmem>>, vector<16xf32>,
    %swap3A_141 = arith.constant 864 : index
    %swap3A_142 = tpu.vector_load %arg7[%swap3A_141] {strides = array<i32>} : memref<2048xf32, #tpu.memory_space<vmem>>, vector<16xf32>,
    tpu.vector_store %arg7[%swap3A_141], %mul3A_33 {strides = array<i32>} : memref<2048xf32, #tpu.memory_space<vmem>>, vector<16xf32>,
    %swap3A_143 = arith.constant 880 : index
    %swap3A_144 = tpu.vector_load %arg7[%swap3A_143] {strides = array<i32>} : memref<2048xf32, #tpu.memory_space<vmem>>, vector<16xf32>,
    tpu.vector_store %arg7[%swap3A_143], %mul3A_33 {strides = array<i32>} : memref<2048xf32, #tpu.memory_space<vmem>>, vector<16xf32>,
    %swap3A_145 = arith.constant 896 : index
    %swap3A_146 = tpu.vector_load %arg7[%swap3A_145] {strides = array<i32>} : memref<2048xf32, #tpu.memory_space<vmem>>, vector<16xf32>,
    tpu.vector_store %arg7[%swap3A_145], %mul3A_33 {strides = array<i32>} : memref<2048xf32, #tpu.memory_space<vmem>>, vector<16xf32>,
    %swap3A_147 = arith.constant 912 : index
    %swap3A_148 = tpu.vector_load %arg7[%swap3A_147] {strides = array<i32>} : memref<2048xf32, #tpu.memory_space<vmem>>, vector<16xf32>,
    tpu.vector_store %arg7[%swap3A_147], %mul3A_33 {strides = array<i32>} : memref<2048xf32, #tpu.memory_space<vmem>>, vector<16xf32>,
    %swap3A_149 = arith.constant 928 : index
    %swap3A_150 = tpu.vector_load %arg7[%swap3A_149] {strides = array<i32>} : memref<2048xf32, #tpu.memory_space<vmem>>, vector<16xf32>,
    tpu.vector_store %arg7[%swap3A_149], %mul3A_33 {strides = array<i32>} : memref<2048xf32, #tpu.memory_space<vmem>>, vector<16xf32>,
    %swap3A_151 = arith.constant 944 : index
    %swap3A_152 = tpu.vector_load %arg7[%swap3A_151] {strides = array<i32>} : memref<2048xf32, #tpu.memory_space<vmem>>, vector<16xf32>,
    tpu.vector_store %arg7[%swap3A_151], %mul3A_33 {strides = array<i32>} : memref<2048xf32, #tpu.memory_space<vmem>>, vector<16xf32>,
    %swap3A_153 = arith.constant 960 : index
    %swap3A_154 = tpu.vector_load %arg7[%swap3A_153] {strides = array<i32>} : memref<2048xf32, #tpu.memory_space<vmem>>, vector<16xf32>,
    tpu.vector_store %arg7[%swap3A_153], %mul3A_33 {strides = array<i32>} : memref<2048xf32, #tpu.memory_space<vmem>>, vector<16xf32>,
    %swap3A_155 = arith.constant 976 : index
    %swap3A_156 = tpu.vector_load %arg7[%swap3A_155] {strides = array<i32>} : memref<2048xf32, #tpu.memory_space<vmem>>, vector<16xf32>,
    tpu.vector_store %arg7[%swap3A_155], %mul3A_33 {strides = array<i32>} : memref<2048xf32, #tpu.memory_space<vmem>>, vector<16xf32>,
    %swap3A_157 = arith.constant 992 : index
    %swap3A_158 = tpu.vector_load %arg7[%swap3A_157] {strides = array<i32>} : memref<2048xf32, #tpu.memory_space<vmem>>, vector<16xf32>,
    tpu.vector_store %arg7[%swap3A_157], %mul3A_33 {strides = array<i32>} : memref<2048xf32, #tpu.memory_space<vmem>>, vector<16xf32>,
    %swap3A_159 = arith.constant 1008 : index
    %swap3A_160 = tpu.vector_load %arg7[%swap3A_159] {strides = array<i32>} : memref<2048xf32, #tpu.memory_space<vmem>>, vector<16xf32>,
    tpu.vector_store %arg7[%swap3A_159], %mul3A_33 {strides = array<i32>} : memref<2048xf32, #tpu.memory_space<vmem>>, vector<16xf32>,
    %swap3A_161 = arith.constant 1024 : index
    %swap3A_162 = tpu.vector_load %arg7[%swap3A_161] {strides = array<i32>} : memref<2048xf32, #tpu.memory_space<vmem>>, vector<16xf32>,
    tpu.vector_store %arg7[%swap3A_161], %mul3A_33 {strides = array<i32>} : memref<2048xf32, #tpu.memory_space<vmem>>, vector<16xf32>,
    %swap3A_163 = arith.constant 1040 : index
    %swap3A_164 = tpu.vector_load %arg7[%swap3A_163] {strides = array<i32>} : memref<2048xf32, #tpu.memory_space<vmem>>, vector<16xf32>,
    tpu.vector_store %arg7[%swap3A_163], %mul3A_33 {strides = array<i32>} : memref<2048xf32, #tpu.memory_space<vmem>>, vector<16xf32>,
    %swap3A_165 = arith.constant 1056 : index
    %swap3A_166 = tpu.vector_load %arg7[%swap3A_165] {strides = array<i32>} : memref<2048xf32, #tpu.memory_space<vmem>>, vector<16xf32>,
    tpu.vector_store %arg7[%swap3A_165], %mul3A_33 {strides = array<i32>} : memref<2048xf32, #tpu.memory_space<vmem>>, vector<16xf32>,
    %swap3A_167 = arith.constant 1072 : index
    %swap3A_168 = tpu.vector_load %arg7[%swap3A_167] {strides = array<i32>} : memref<2048xf32, #tpu.memory_space<vmem>>, vector<16xf32>,
    tpu.vector_store %arg7[%swap3A_167], %mul3A_33 {strides = array<i32>} : memref<2048xf32, #tpu.memory_space<vmem>>, vector<16xf32>,
    %swap3A_169 = arith.constant 1088 : index
    %swap3A_170 = tpu.vector_load %arg7[%swap3A_169] {strides = array<i32>} : memref<2048xf32, #tpu.memory_space<vmem>>, vector<16xf32>,
    tpu.vector_store %arg7[%swap3A_169], %mul3A_33 {strides = array<i32>} : memref<2048xf32, #tpu.memory_space<vmem>>, vector<16xf32>,
    %swap3A_171 = arith.constant 1104 : index
    %swap3A_172 = tpu.vector_load %arg7[%swap3A_171] {strides = array<i32>} : memref<2048xf32, #tpu.memory_space<vmem>>, vector<16xf32>,
    tpu.vector_store %arg7[%swap3A_171], %mul3A_33 {strides = array<i32>} : memref<2048xf32, #tpu.memory_space<vmem>>, vector<16xf32>,
    %swap3A_173 = arith.constant 1120 : index
    %swap3A_174 = tpu.vector_load %arg7[%swap3A_173] {strides = array<i32>} : memref<2048xf32, #tpu.memory_space<vmem>>, vector<16xf32>,
    tpu.vector_store %arg7[%swap3A_173], %mul3A_33 {strides = array<i32>} : memref<2048xf32, #tpu.memory_space<vmem>>, vector<16xf32>,
    %swap3A_175 = arith.constant 1136 : index
    %swap3A_176 = tpu.vector_load %arg7[%swap3A_175] {strides = array<i32>} : memref<2048xf32, #tpu.memory_space<vmem>>, vector<16xf32>,
    tpu.vector_store %arg7[%swap3A_175], %mul3A_33 {strides = array<i32>} : memref<2048xf32, #tpu.memory_space<vmem>>, vector<16xf32>,
    %swap3A_177 = arith.constant 1152 : index
    %swap3A_178 = tpu.vector_load %arg7[%swap3A_177] {strides = array<i32>} : memref<2048xf32, #tpu.memory_space<vmem>>, vector<16xf32>,
    tpu.vector_store %arg7[%swap3A_177], %mul3A_33 {strides = array<i32>} : memref<2048xf32, #tpu.memory_space<vmem>>, vector<16xf32>,
    %swap3A_179 = arith.constant 1168 : index
    %swap3A_180 = tpu.vector_load %arg7[%swap3A_179] {strides = array<i32>} : memref<2048xf32, #tpu.memory_space<vmem>>, vector<16xf32>,
    tpu.vector_store %arg7[%swap3A_179], %mul3A_33 {strides = array<i32>} : memref<2048xf32, #tpu.memory_space<vmem>>, vector<16xf32>,
    %swap3A_181 = arith.constant 1184 : index
    %swap3A_182 = tpu.vector_load %arg7[%swap3A_181] {strides = array<i32>} : memref<2048xf32, #tpu.memory_space<vmem>>, vector<16xf32>,
    tpu.vector_store %arg7[%swap3A_181], %mul3A_33 {strides = array<i32>} : memref<2048xf32, #tpu.memory_space<vmem>>, vector<16xf32>,
    %swap3A_183 = arith.constant 1200 : index
    %swap3A_184 = tpu.vector_load %arg7[%swap3A_183] {strides = array<i32>} : memref<2048xf32, #tpu.memory_space<vmem>>, vector<16xf32>,
    tpu.vector_store %arg7[%swap3A_183], %mul3A_33 {strides = array<i32>} : memref<2048xf32, #tpu.memory_space<vmem>>, vector<16xf32>,
    %swap3A_185 = arith.constant 1216 : index
    %swap3A_186 = tpu.vector_load %arg7[%swap3A_185] {strides = array<i32>} : memref<2048xf32, #tpu.memory_space<vmem>>, vector<16xf32>,
    tpu.vector_store %arg7[%swap3A_185], %mul3A_33 {strides = array<i32>} : memref<2048xf32, #tpu.memory_space<vmem>>, vector<16xf32>,
    %swap3A_187 = arith.constant 1232 : index
    %swap3A_188 = tpu.vector_load %arg7[%swap3A_187] {strides = array<i32>} : memref<2048xf32, #tpu.memory_space<vmem>>, vector<16xf32>,
    tpu.vector_store %arg7[%swap3A_187], %mul3A_33 {strides = array<i32>} : memref<2048xf32, #tpu.memory_space<vmem>>, vector<16xf32>,
    %swap3A_189 = arith.constant 1248 : index
    %swap3A_190 = tpu.vector_load %arg7[%swap3A_189] {strides = array<i32>} : memref<2048xf32, #tpu.memory_space<vmem>>, vector<16xf32>,
    tpu.vector_store %arg7[%swap3A_189], %mul3A_33 {strides = array<i32>} : memref<2048xf32, #tpu.memory_space<vmem>>, vector<16xf32>,
    %swap3A_191 = arith.constant 1264 : index
    %swap3A_192 = tpu.vector_load %arg7[%swap3A_191] {strides = array<i32>} : memref<2048xf32, #tpu.memory_space<vmem>>, vector<16xf32>,
    tpu.vector_store %arg7[%swap3A_191], %mul3A_33 {strides = array<i32>} : memref<2048xf32, #tpu.memory_space<vmem>>, vector<16xf32>,
    %swap3A_193 = arith.constant 1280 : index
    %swap3A_194 = tpu.vector_load %arg7[%swap3A_193] {strides = array<i32>} : memref<2048xf32, #tpu.memory_space<vmem>>, vector<16xf32>,
    tpu.vector_store %arg7[%swap3A_193], %mul3A_33 {strides = array<i32>} : memref<2048xf32, #tpu.memory_space<vmem>>, vector<16xf32>,
    %swap3A_195 = arith.constant 1296 : index
    %swap3A_196 = tpu.vector_load %arg7[%swap3A_195] {strides = array<i32>} : memref<2048xf32, #tpu.memory_space<vmem>>, vector<16xf32>,
    tpu.vector_store %arg7[%swap3A_195], %mul3A_33 {strides = array<i32>} : memref<2048xf32, #tpu.memory_space<vmem>>, vector<16xf32>,
    %swap3A_197 = arith.constant 1312 : index
    %swap3A_198 = tpu.vector_load %arg7[%swap3A_197] {strides = array<i32>} : memref<2048xf32, #tpu.memory_space<vmem>>, vector<16xf32>,
    tpu.vector_store %arg7[%swap3A_197], %mul3A_33 {strides = array<i32>} : memref<2048xf32, #tpu.memory_space<vmem>>, vector<16xf32>,
    %swap3A_199 = arith.constant 1328 : index
    %swap3A_200 = tpu.vector_load %arg7[%swap3A_199] {strides = array<i32>} : memref<2048xf32, #tpu.memory_space<vmem>>, vector<16xf32>,
    tpu.vector_store %arg7[%swap3A_199], %mul3A_33 {strides = array<i32>} : memref<2048xf32, #tpu.memory_space<vmem>>, vector<16xf32>,
    %swap3A_201 = arith.constant 1344 : index
    %swap3A_202 = tpu.vector_load %arg7[%swap3A_201] {strides = array<i32>} : memref<2048xf32, #tpu.memory_space<vmem>>, vector<16xf32>,
    tpu.vector_store %arg7[%swap3A_201], %mul3A_33 {strides = array<i32>} : memref<2048xf32, #tpu.memory_space<vmem>>, vector<16xf32>,
    %swap3A_203 = arith.constant 1360 : index
    %swap3A_204 = tpu.vector_load %arg7[%swap3A_203] {strides = array<i32>} : memref<2048xf32, #tpu.memory_space<vmem>>, vector<16xf32>,
    tpu.vector_store %arg7[%swap3A_203], %mul3A_33 {strides = array<i32>} : memref<2048xf32, #tpu.memory_space<vmem>>, vector<16xf32>,
    %swap3A_205 = arith.constant 1376 : index
    %swap3A_206 = tpu.vector_load %arg7[%swap3A_205] {strides = array<i32>} : memref<2048xf32, #tpu.memory_space<vmem>>, vector<16xf32>,
    tpu.vector_store %arg7[%swap3A_205], %mul3A_33 {strides = array<i32>} : memref<2048xf32, #tpu.memory_space<vmem>>, vector<16xf32>,
    %swap3A_207 = arith.constant 1392 : index
    %swap3A_208 = tpu.vector_load %arg7[%swap3A_207] {strides = array<i32>} : memref<2048xf32, #tpu.memory_space<vmem>>, vector<16xf32>,
    tpu.vector_store %arg7[%swap3A_207], %mul3A_33 {strides = array<i32>} : memref<2048xf32, #tpu.memory_space<vmem>>, vector<16xf32>,
    %swap3A_209 = arith.constant 1408 : index
    %swap3A_210 = tpu.vector_load %arg7[%swap3A_209] {strides = array<i32>} : memref<2048xf32, #tpu.memory_space<vmem>>, vector<16xf32>,
    tpu.vector_store %arg7[%swap3A_209], %mul3A_33 {strides = array<i32>} : memref<2048xf32, #tpu.memory_space<vmem>>, vector<16xf32>,
    %swap3A_211 = arith.constant 1424 : index
    %swap3A_212 = tpu.vector_load %arg7[%swap3A_211] {strides = array<i32>} : memref<2048xf32, #tpu.memory_space<vmem>>, vector<16xf32>,
    tpu.vector_store %arg7[%swap3A_211], %mul3A_33 {strides = array<i32>} : memref<2048xf32, #tpu.memory_space<vmem>>, vector<16xf32>,
    %swap3A_213 = arith.constant 1440 : index
    %swap3A_214 = tpu.vector_load %arg7[%swap3A_213] {strides = array<i32>} : memref<2048xf32, #tpu.memory_space<vmem>>, vector<16xf32>,
    tpu.vector_store %arg7[%swap3A_213], %mul3A_33 {strides = array<i32>} : memref<2048xf32, #tpu.memory_space<vmem>>, vector<16xf32>,
    %swap3A_215 = arith.constant 1456 : index
    %swap3A_216 = tpu.vector_load %arg7[%swap3A_215] {strides = array<i32>} : memref<2048xf32, #tpu.memory_space<vmem>>, vector<16xf32>,
    tpu.vector_store %arg7[%swap3A_215], %mul3A_33 {strides = array<i32>} : memref<2048xf32, #tpu.memory_space<vmem>>, vector<16xf32>,
    %swap3A_217 = arith.constant 1472 : index
    %swap3A_218 = tpu.vector_load %arg7[%swap3A_217] {strides = array<i32>} : memref<2048xf32, #tpu.memory_space<vmem>>, vector<16xf32>,
    tpu.vector_store %arg7[%swap3A_217], %mul3A_33 {strides = array<i32>} : memref<2048xf32, #tpu.memory_space<vmem>>, vector<16xf32>,
    %swap3A_219 = arith.constant 1488 : index
    %swap3A_220 = tpu.vector_load %arg7[%swap3A_219] {strides = array<i32>} : memref<2048xf32, #tpu.memory_space<vmem>>, vector<16xf32>,
    tpu.vector_store %arg7[%swap3A_219], %mul3A_33 {strides = array<i32>} : memref<2048xf32, #tpu.memory_space<vmem>>, vector<16xf32>,
    %swap3A_221 = arith.constant 1504 : index
    %swap3A_222 = tpu.vector_load %arg7[%swap3A_221] {strides = array<i32>} : memref<2048xf32, #tpu.memory_space<vmem>>, vector<16xf32>,
    tpu.vector_store %arg7[%swap3A_221], %mul3A_33 {strides = array<i32>} : memref<2048xf32, #tpu.memory_space<vmem>>, vector<16xf32>,
    %swap3A_223 = arith.constant 1520 : index
    %swap3A_224 = tpu.vector_load %arg7[%swap3A_223] {strides = array<i32>} : memref<2048xf32, #tpu.memory_space<vmem>>, vector<16xf32>,
    tpu.vector_store %arg7[%swap3A_223], %mul3A_33 {strides = array<i32>} : memref<2048xf32, #tpu.memory_space<vmem>>, vector<16xf32>,
    %swap3A_225 = arith.constant 1536 : index
    %swap3A_226 = tpu.vector_load %arg7[%swap3A_225] {strides = array<i32>} : memref<2048xf32, #tpu.memory_space<vmem>>, vector<16xf32>,
    tpu.vector_store %arg7[%swap3A_225], %mul3A_33 {strides = array<i32>} : memref<2048xf32, #tpu.memory_space<vmem>>, vector<16xf32>,
    %swap3A_227 = arith.constant 1552 : index
    %swap3A_228 = tpu.vector_load %arg7[%swap3A_227] {strides = array<i32>} : memref<2048xf32, #tpu.memory_space<vmem>>, vector<16xf32>,
    tpu.vector_store %arg7[%swap3A_227], %mul3A_33 {strides = array<i32>} : memref<2048xf32, #tpu.memory_space<vmem>>, vector<16xf32>,
    %swap3A_229 = arith.constant 1568 : index
    %swap3A_230 = tpu.vector_load %arg7[%swap3A_229] {strides = array<i32>} : memref<2048xf32, #tpu.memory_space<vmem>>, vector<16xf32>,
    tpu.vector_store %arg7[%swap3A_229], %mul3A_33 {strides = array<i32>} : memref<2048xf32, #tpu.memory_space<vmem>>, vector<16xf32>,
    %swap3A_231 = arith.constant 1584 : index
    %swap3A_232 = tpu.vector_load %arg7[%swap3A_231] {strides = array<i32>} : memref<2048xf32, #tpu.memory_space<vmem>>, vector<16xf32>,
    tpu.vector_store %arg7[%swap3A_231], %mul3A_33 {strides = array<i32>} : memref<2048xf32, #tpu.memory_space<vmem>>, vector<16xf32>,
    %swap3A_233 = arith.constant 1600 : index
    %swap3A_234 = tpu.vector_load %arg7[%swap3A_233] {strides = array<i32>} : memref<2048xf32, #tpu.memory_space<vmem>>, vector<16xf32>,
    tpu.vector_store %arg7[%swap3A_233], %mul3A_33 {strides = array<i32>} : memref<2048xf32, #tpu.memory_space<vmem>>, vector<16xf32>,
    %swap3A_235 = arith.constant 1616 : index
    %swap3A_236 = tpu.vector_load %arg7[%swap3A_235] {strides = array<i32>} : memref<2048xf32, #tpu.memory_space<vmem>>, vector<16xf32>,
    tpu.vector_store %arg7[%swap3A_235], %mul3A_33 {strides = array<i32>} : memref<2048xf32, #tpu.memory_space<vmem>>, vector<16xf32>,
    %swap3A_237 = arith.constant 1632 : index
    %swap3A_238 = tpu.vector_load %arg7[%swap3A_237] {strides = array<i32>} : memref<2048xf32, #tpu.memory_space<vmem>>, vector<16xf32>,
    tpu.vector_store %arg7[%swap3A_237], %mul3A_33 {strides = array<i32>} : memref<2048xf32, #tpu.memory_space<vmem>>, vector<16xf32>,
    %swap3A_239 = arith.constant 1648 : index
    %swap3A_240 = tpu.vector_load %arg7[%swap3A_239] {strides = array<i32>} : memref<2048xf32, #tpu.memory_space<vmem>>, vector<16xf32>,
    tpu.vector_store %arg7[%swap3A_239], %mul3A_33 {strides = array<i32>} : memref<2048xf32, #tpu.memory_space<vmem>>, vector<16xf32>,
    %swap3A_241 = arith.constant 1664 : index
    %swap3A_242 = tpu.vector_load %arg7[%swap3A_241] {strides = array<i32>} : memref<2048xf32, #tpu.memory_space<vmem>>, vector<16xf32>,
    tpu.vector_store %arg7[%swap3A_241], %mul3A_33 {strides = array<i32>} : memref<2048xf32, #tpu.memory_space<vmem>>, vector<16xf32>,
    %swap3A_243 = arith.constant 1680 : index
    %swap3A_244 = tpu.vector_load %arg7[%swap3A_243] {strides = array<i32>} : memref<2048xf32, #tpu.memory_space<vmem>>, vector<16xf32>,
    tpu.vector_store %arg7[%swap3A_243], %mul3A_33 {strides = array<i32>} : memref<2048xf32, #tpu.memory_space<vmem>>, vector<16xf32>,
    %swap3A_245 = arith.constant 1696 : index
    %swap3A_246 = tpu.vector_load %arg7[%swap3A_245] {strides = array<i32>} : memref<2048xf32, #tpu.memory_space<vmem>>, vector<16xf32>,
    tpu.vector_store %arg7[%swap3A_245], %mul3A_33 {strides = array<i32>} : memref<2048xf32, #tpu.memory_space<vmem>>, vector<16xf32>,
    %swap3A_247 = arith.constant 1712 : index
    %swap3A_248 = tpu.vector_load %arg7[%swap3A_247] {strides = array<i32>} : memref<2048xf32, #tpu.memory_space<vmem>>, vector<16xf32>,
    tpu.vector_store %arg7[%swap3A_247], %mul3A_33 {strides = array<i32>} : memref<2048xf32, #tpu.memory_space<vmem>>, vector<16xf32>,
    %swap3A_249 = arith.constant 1728 : index
    %swap3A_250 = tpu.vector_load %arg7[%swap3A_249] {strides = array<i32>} : memref<2048xf32, #tpu.memory_space<vmem>>, vector<16xf32>,
    tpu.vector_store %arg7[%swap3A_249], %mul3A_33 {strides = array<i32>} : memref<2048xf32, #tpu.memory_space<vmem>>, vector<16xf32>,
    %swap3A_251 = arith.constant 1744 : index
    %swap3A_252 = tpu.vector_load %arg7[%swap3A_251] {strides = array<i32>} : memref<2048xf32, #tpu.memory_space<vmem>>, vector<16xf32>,
    tpu.vector_store %arg7[%swap3A_251], %mul3A_33 {strides = array<i32>} : memref<2048xf32, #tpu.memory_space<vmem>>, vector<16xf32>,
    %swap3A_253 = arith.constant 1760 : index
    %swap3A_254 = tpu.vector_load %arg7[%swap3A_253] {strides = array<i32>} : memref<2048xf32, #tpu.memory_space<vmem>>, vector<16xf32>,
    tpu.vector_store %arg7[%swap3A_253], %mul3A_33 {strides = array<i32>} : memref<2048xf32, #tpu.memory_space<vmem>>, vector<16xf32>,
    %swap3A_255 = arith.constant 1776 : index
    %swap3A_256 = tpu.vector_load %arg7[%swap3A_255] {strides = array<i32>} : memref<2048xf32, #tpu.memory_space<vmem>>, vector<16xf32>,
    tpu.vector_store %arg7[%swap3A_255], %mul3A_33 {strides = array<i32>} : memref<2048xf32, #tpu.memory_space<vmem>>, vector<16xf32>,
    %swap3A_257 = arith.constant 1792 : index
    %swap3A_258 = tpu.vector_load %arg7[%swap3A_257] {strides = array<i32>} : memref<2048xf32, #tpu.memory_space<vmem>>, vector<16xf32>,
    tpu.vector_store %arg7[%swap3A_257], %mul3A_33 {strides = array<i32>} : memref<2048xf32, #tpu.memory_space<vmem>>, vector<16xf32>,
    %swap3A_259 = arith.constant 1808 : index
    %swap3A_260 = tpu.vector_load %arg7[%swap3A_259] {strides = array<i32>} : memref<2048xf32, #tpu.memory_space<vmem>>, vector<16xf32>,
    tpu.vector_store %arg7[%swap3A_259], %mul3A_33 {strides = array<i32>} : memref<2048xf32, #tpu.memory_space<vmem>>, vector<16xf32>,
    %swap3A_261 = arith.constant 1824 : index
    %swap3A_262 = tpu.vector_load %arg7[%swap3A_261] {strides = array<i32>} : memref<2048xf32, #tpu.memory_space<vmem>>, vector<16xf32>,
    tpu.vector_store %arg7[%swap3A_261], %mul3A_33 {strides = array<i32>} : memref<2048xf32, #tpu.memory_space<vmem>>, vector<16xf32>,
    %swap3A_263 = arith.constant 1840 : index
    %swap3A_264 = tpu.vector_load %arg7[%swap3A_263] {strides = array<i32>} : memref<2048xf32, #tpu.memory_space<vmem>>, vector<16xf32>,
    tpu.vector_store %arg7[%swap3A_263], %mul3A_33 {strides = array<i32>} : memref<2048xf32, #tpu.memory_space<vmem>>, vector<16xf32>,
    %swap3A_265 = arith.constant 1856 : index
    %swap3A_266 = tpu.vector_load %arg7[%swap3A_265] {strides = array<i32>} : memref<2048xf32, #tpu.memory_space<vmem>>, vector<16xf32>,
    tpu.vector_store %arg7[%swap3A_265], %mul3A_33 {strides = array<i32>} : memref<2048xf32, #tpu.memory_space<vmem>>, vector<16xf32>,
    %swap3A_267 = arith.constant 1872 : index
    %swap3A_268 = tpu.vector_load %arg7[%swap3A_267] {strides = array<i32>} : memref<2048xf32, #tpu.memory_space<vmem>>, vector<16xf32>,
    tpu.vector_store %arg7[%swap3A_267], %mul3A_33 {strides = array<i32>} : memref<2048xf32, #tpu.memory_space<vmem>>, vector<16xf32>,
    %swap3A_269 = arith.constant 1888 : index
    %swap3A_270 = tpu.vector_load %arg7[%swap3A_269] {strides = array<i32>} : memref<2048xf32, #tpu.memory_space<vmem>>, vector<16xf32>,
    tpu.vector_store %arg7[%swap3A_269], %mul3A_33 {strides = array<i32>} : memref<2048xf32, #tpu.memory_space<vmem>>, vector<16xf32>,
    %swap3A_271 = arith.constant 1904 : index
    %swap3A_272 = tpu.vector_load %arg7[%swap3A_271] {strides = array<i32>} : memref<2048xf32, #tpu.memory_space<vmem>>, vector<16xf32>,
    tpu.vector_store %arg7[%swap3A_271], %mul3A_33 {strides = array<i32>} : memref<2048xf32, #tpu.memory_space<vmem>>, vector<16xf32>,
    %swap3A_273 = arith.constant 1920 : index
    %swap3A_274 = tpu.vector_load %arg7[%swap3A_273] {strides = array<i32>} : memref<2048xf32, #tpu.memory_space<vmem>>, vector<16xf32>,
    tpu.vector_store %arg7[%swap3A_273], %mul3A_33 {strides = array<i32>} : memref<2048xf32, #tpu.memory_space<vmem>>, vector<16xf32>,
    %swap3A_275 = arith.constant 1936 : index
    %swap3A_276 = tpu.vector_load %arg7[%swap3A_275] {strides = array<i32>} : memref<2048xf32, #tpu.memory_space<vmem>>, vector<16xf32>,
    tpu.vector_store %arg7[%swap3A_275], %mul3A_33 {strides = array<i32>} : memref<2048xf32, #tpu.memory_space<vmem>>, vector<16xf32>,
    %swap3A_277 = arith.constant 1952 : index
    %swap3A_278 = tpu.vector_load %arg7[%swap3A_277] {strides = array<i32>} : memref<2048xf32, #tpu.memory_space<vmem>>, vector<16xf32>,
    tpu.vector_store %arg7[%swap3A_277], %mul3A_33 {strides = array<i32>} : memref<2048xf32, #tpu.memory_space<vmem>>, vector<16xf32>,
    %swap3A_279 = arith.constant 1968 : index
    %swap3A_280 = tpu.vector_load %arg7[%swap3A_279] {strides = array<i32>} : memref<2048xf32, #tpu.memory_space<vmem>>, vector<16xf32>,
    tpu.vector_store %arg7[%swap3A_279], %mul3A_33 {strides = array<i32>} : memref<2048xf32, #tpu.memory_space<vmem>>, vector<16xf32>,
    %swap3A_281 = arith.constant 1984 : index
    %swap3A_282 = tpu.vector_load %arg7[%swap3A_281] {strides = array<i32>} : memref<2048xf32, #tpu.memory_space<vmem>>, vector<16xf32>,
    tpu.vector_store %arg7[%swap3A_281], %mul3A_33 {strides = array<i32>} : memref<2048xf32, #tpu.memory_space<vmem>>, vector<16xf32>,
    %swap3A_283 = arith.constant 2000 : index
    %swap3A_284 = tpu.vector_load %arg7[%swap3A_283] {strides = array<i32>} : memref<2048xf32, #tpu.memory_space<vmem>>, vector<16xf32>,
    tpu.vector_store %arg7[%swap3A_283], %mul3A_33 {strides = array<i32>} : memref<2048xf32, #tpu.memory_space<vmem>>, vector<16xf32>,
    %swap3A_285 = arith.constant 2016 : index
    %swap3A_286 = tpu.vector_load %arg7[%swap3A_285] {strides = array<i32>} : memref<2048xf32, #tpu.memory_space<vmem>>, vector<16xf32>,
    tpu.vector_store %arg7[%swap3A_285], %mul3A_33 {strides = array<i32>} : memref<2048xf32, #tpu.memory_space<vmem>>, vector<16xf32>,
    %swap3A_287 = arith.constant 2032 : index
    %swap3A_288 = tpu.vector_load %arg7[%swap3A_287] {strides = array<i32>} : memref<2048xf32, #tpu.memory_space<vmem>>, vector<16xf32>,
    tpu.vector_store %arg7[%swap3A_287], %mul3A_33 {strides = array<i32>} : memref<2048xf32, #tpu.memory_space<vmem>>, vector<16xf32>,
    "tpu.region"() ({
      %run_scoped3A = tpu.sem_alloc : memref<!tpu.dma_semaphore, #tpu.memory_space<semaphore_mem>>
      %dma_start3A = tpu.memref_slice %arg4[%shift_right_arithmetic3A_1, %mul3A_4] : memref<4x16384xf32, #tpu.memory_space<hbm>> -> memref<1x2048xf32, #tpu.memory_space<hbm>>
      %dma_start3A_289 = tpu.memref_squeeze %dma_start3A : memref<1x2048xf32, #tpu.memory_space<hbm>> -> memref<2048xf32, #tpu.memory_space<hbm>>
      %dma_start3A_290 = tpu.memref_slice %arg4[%shift_right_arithmetic3A_1, %mul3A_4] : memref<4x16384xf32, #tpu.memory_space<hbm>> -> memref<1x2048xf32, #tpu.memory_space<hbm>>
      %dma_start3A_291 = tpu.memref_squeeze %dma_start3A_290 : memref<1x2048xf32, #tpu.memory_space<hbm>> -> memref<2048xf32, #tpu.memory_space<hbm>>
      tpu.enqueue_dma source(%arg7 : memref<2048xf32, #tpu.memory_space<vmem>>) target(%dma_start3A_291 : memref<2048xf32, #tpu.memory_space<hbm>>) target_semaphore(%run_scoped3A : memref<!tpu.dma_semaphore, #tpu.memory_space<semaphore_mem>>)
      %dma_wait3A = tpu.memref_slice %arg4[%shift_right_arithmetic3A_1, %mul3A_4] : memref<4x16384xf32, #tpu.memory_space<hbm>> -> memref<1x2048xf32, #tpu.memory_space<hbm>>
      %dma_wait3A_292 = tpu.memref_squeeze %dma_wait3A : memref<1x2048xf32, #tpu.memory_space<hbm>> -> memref<2048xf32, #tpu.memory_space<hbm>>
      %dma_wait3A_293 = tpu.memref_slice %arg4[%shift_right_arithmetic3A_1, %mul3A_4] : memref<4x16384xf32, #tpu.memory_space<hbm>> -> memref<1x2048xf32, #tpu.memory_space<hbm>>
      %dma_wait3A_294 = tpu.memref_squeeze %dma_wait3A_293 : memref<1x2048xf32, #tpu.memory_space<hbm>> -> memref<2048xf32, #tpu.memory_space<hbm>>
      tpu.wait_dma2 semaphore(%run_scoped3A : memref<!tpu.dma_semaphore, #tpu.memory_space<semaphore_mem>>) src(%arg7 : memref<2048xf32, #tpu.memory_space<vmem>>) dst(%dma_wait3A_294 : memref<2048xf32, #tpu.memory_space<hbm>>)
      tpu.yield
    }) : () -> ()
    return
  }
}

</mosaic_0001>

<sc_bundles>
// kernel: _run.3.cloned.1.call-start
scs
__scs_entry_jumppad:
0x0: {  	(pc) =	sbr.rel $0x88, $3  }
0x1: {  	(tag) =	ssettag $0x0;
	lr =	simm.s32 $0x1  }
0x2: {  	[smem:$0x3F9F] =	sst lr;
	_ =	strace $0xD0000000  }
0x3: {  	_ = 	snop  }
0x4: {  	_ = 	snop  }
0x5: {  	_ = 	snop  }
0x6: {  	_ = 	snop  }
0x7: {  	_ = 	snop  }
__scs_overlays_trampoline_lowered:
0x8: {  	[smem:$0x3FAE] =	sst s0  }
0x9: {  	[smem:$0x3FAF] =	sst s1  }
0xa: {  	[smem:$0x3FB0] =	sst s2  }
0xb: {  	[smem:$0x3FB1] =	sst s3  }
0xc: {  	[smem:$0x3FB2] =	sst s4  }
0xd: {  	[smem:$0x3FB3] =	sst s5  }
0xe: {  	[smem:$0x3FB4] =	sst s6  }
0xf: {  	[smem:$0x3FB5] =	sst s7  }
0x10: {  	[smem:$0x3FB6] =	sst s8  }
0x11: {  	[smem:$0x3FB7] =	sst s9;
	s0 =	simm.s32 @!p0 $0x0  }
0x12: {  	s1 =	sld [smem:$0x3F9D];
	s0 =	simm.s32 @p0 $0x1  }
0x13: {  	[smem:$0x3FB8] =	sst s0;
	s0 =	simm.s32 @!p1 $0x0  }
0x14: {  	s2 =	sld [smem:$0x3F9C];
	s0 =	simm.s32 @p1 $0x1  }
0x15: {  	[smem:$0x3FB9] =	sst s0;
	s0 =	simm.s32 @!p2 $0x0  }
0x16: {  	s3 =	sld [smem:$0x3FDB];
	s0 =	simm.s32 @p2 $0x1  }
0x17: {  	s4 =	simm.s32 $0x1BF5;
	[smem:$0x3FBB] =	sst s0  }
0x18: {  	s0 =	sld [smem:$0x3F9E];
	_ =	swait.ge [sflag:s4], $0x0  }
0x19: {  	s7 =	sld [smem:$0x3F9F]  }
0x1a: {  	s8 =	sadd.s32 $0xFFFFE003, lr  }
0x1b: {  	s9 =	sadd.s32 $0xFFFFFEF7, lr;
	s5 =	simm.s32 $0xFFFFFFFF;
	p2 =	slt.u32 s8, $0xFFFFF086  }
0x1c: {  	p1 =	slt.u32 s9, $0xF7A;
	s5 =	simm.s32 @!p2 $0x0  }
0x1d: {  	s5 =	simm.s32 @p1 $0x1;
	p0 =	seq.s32 s7, s2  }
0x1e: {  	s7 =	smul.u32 @!p0 $0xF7A, s2;
	p2 =	seq.s32 @!p0 s5, $0x0  }
0x1f: {  	s9 =	smul.u32 $0xF7A, s1;
	s8 =	simm.s32 @!p0 $0x1BF5;
	p2 =	por !p2, p0  }
0x20: {  	[sflag:s8] =	ssyncset.s32 @!p0 $0xFFFFF086;
	s6 =	sadd.s32 @!p0 s3, s7;
	s7 =	simm.s32 @!p0 $0x108  }
0x21: {  	s3 =	sadd.s32 s3, s9;
	s6 =	sadd.s32 @!p0 $0x88, s6;
	s7 =	simm.s32 @p2 $0x1082  }
0x22: {  	[simem:s7], [sflag:s8] =	dma.local @!p0 [hbm:s6], $0xF7A  }
0x23: {  	s9 =	sor.u32 $0xD0000000, s2;
	s6 =	simm.s32 $0x108;
	_ =	swait.ge @!p0 [sflag:s8], $0x0  }
0x24: {  	s3 =	sadd.s32 $0x88, s3;
	s6 =	simm.s32 @!p1 $0x1082;
	[sflag:s4] =	ssyncset.s32 $0xFFFFF086  }
0x25: {  	[simem:s6], [sflag:s4] =	dma.local [hbm:s3], $0xF7A  }
0x26: {  	[smem:$0x3F9F] =	sst s1;
	(tag) =	ssettag s2;
	_ =	strace s9  }
0x27: {  	s1 =	sld [smem:$0x3FAF]  }
0x28: {  	s2 =	sld [smem:$0x3FB0]  }
0x29: {  	s4 =	sld [smem:$0x3FB2]  }
0x2a: {  	p0 =	seq.s32 s5, $0x0;
	s5 =	sld [smem:$0x3FB3]  }
0x2b: {  	s6 =	sld [smem:$0x3FB4]  }
0x2c: {  	s7 =	sld [smem:$0x3FB5]  }
0x2d: {  	s3 =	simm.s32 $0x108;
	s8 =	sld [smem:$0x3FB6]  }
0x2e: {  	s3 =	simm.s32 @!p0 $0x1082;
	s9 =	sld [smem:$0x3FB7]  }
0x2f: {  	lr =	sadd.s32 s0, s3;
	s0 =	sld [smem:$0x3FAE]  }
0x30: {  	s3 =	sld [smem:$0x3FB1]  }
0x31: {  	[smem:$0x3FBA] =	sst s10  }
0x32: {  	s10 =	sld [smem:$0x3FB8];
	_ =	sdelay $0x3  }
0x33: {  	p0 =	seq.s32 s10, $0x1;
	s10 =	sld [smem:$0x3FBA];
	_ =	sdelay $0x3  }
0x34: {  	[smem:$0x3FBA] =	sst s10  }
0x35: {  	s10 =	sld [smem:$0x3FB9];
	_ =	sdelay $0x3  }
0x36: {  	p1 =	seq.s32 s10, $0x1;
	s10 =	sld [smem:$0x3FBA];
	_ =	sdelay $0x3  }
0x37: {  	[smem:$0x3FBA] =	sst s10  }
0x38: {  	s10 =	sld [smem:$0x3FBB]  }
0x39: {  	_ = 	snop;
	(pc) =	sbr.ind lr, $3  }
0x3a: {  	_ = 	snop  }
0x3b: {  	_ = 	snop  }
0x3c: {  	p2 =	seq.s32 s10, $0x1;
	s10 =	sld [smem:$0x3FBA]  }
0x3d: {  	_ =	shalt  }
0x3e: {  	_ =	shalt  }
0x3f: {  	_ =	shalt  }
0x40: {  	_ =	shalt  }
0x41: {  	_ =	shalt  }
0x42: {  	_ =	shalt  }
0x43: {  	_ =	shalt  }
0x44: {  	_ =	shalt  }
0x45: {  	_ =	shalt  }
0x46: {  	_ =	shalt  }
0x47: {  	_ =	shalt  }
0x48: {  	_ =	shalt  }
0x49: {  	_ =	shalt  }
0x4a: {  	_ =	shalt  }
0x4b: {  	_ =	shalt  }
0x4c: {  	_ =	shalt  }
0x4d: {  	_ =	shalt  }
0x4e: {  	_ =	shalt  }
0x4f: {  	_ =	shalt  }
0x50: {  	_ =	shalt  }
0x51: {  	_ =	shalt  }
0x52: {  	_ =	shalt  }
0x53: {  	_ =	shalt  }
0x54: {  	_ =	shalt  }
0x55: {  	_ =	shalt  }
0x56: {  	_ =	shalt  }
0x57: {  	_ =	shalt  }
0x58: {  	_ =	shalt  }
0x59: {  	_ =	shalt  }
0x5a: {  	_ =	shalt  }
0x5b: {  	_ =	shalt  }
0x5c: {  	_ =	shalt  }
0x5d: {  	_ =	shalt  }
0x5e: {  	_ =	shalt  }
0x5f: {  	_ =	shalt  }
0x60: {  	_ =	shalt  }
0x61: {  	_ =	shalt  }
0x62: {  	_ =	shalt  }
0x63: {  	_ =	shalt  }
0x64: {  	_ =	shalt  }
0x65: {  	_ =	shalt  }
0x66: {  	_ =	shalt  }
0x67: {  	_ =	shalt  }
0x68: {  	_ =	shalt  }
0x69: {  	_ =	shalt  }
0x6a: {  	_ =	shalt  }
0x6b: {  	_ =	shalt  }
0x6c: {  	_ =	shalt  }
0x6d: {  	_ =	shalt  }
0x6e: {  	_ =	shalt  }
0x6f: {  	_ =	shalt  }
0x70: {  	_ =	shalt  }
0x71: {  	_ =	shalt  }
0x72: {  	_ =	shalt  }
0x73: {  	_ =	shalt  }
0x74: {  	_ =	shalt  }
0x75: {  	_ =	shalt  }
0x76: {  	_ =	shalt  }
0x77: {  	_ =	shalt  }
0x78: {  	_ =	shalt  }
0x79: {  	_ =	shalt  }
0x7a: {  	_ =	shalt  }
0x7b: {  	_ =	shalt  }
0x7c: {  	_ =	shalt  }
0x7d: {  	_ =	shalt  }
0x7e: {  	_ =	shalt  }
0x7f: {  	_ =	shalt  }
0x80: {  	_ =	shalt  }
0x81: {  	_ =	shalt  }
0x82: {  	_ =	shalt  }
0x83: {  	_ =	shalt  }
0x84: {  	_ =	shalt  }
0x85: {  	_ =	shalt  }
0x86: {  	_ =	shalt  }
0x87: {  	_ =	shalt  }
.Lfunc_end0:
.L_simem_size_0:
called_computation_lowered:
.L_overlay_start_0:
0x88: {  	s2 =	sld [smem:$0x3FD9]  }
0x89: {  	s3 =	sld [smem:$0x3FFE];
	_ =	sdelay $0x1  }
0x8a: {  	s1 =	srdreg.scid  }
0x8b: {  	s0 =	sand.u32 $0x1, s1  }
0x8c: {  	s18 =	sshll.u32 s0, $0xA;
	s2 =	sadd.s32 s3, s2  }
0x8d: {  	s2 =	sadd.s32 s2, s18  }
0x8e: {  	[smem:$0x3FC6] =	sst s2  }
0x8f: {  	_ = 	snop  }
0x90: {  	s2 =	sld [smem:$0x3FC9]  }
0x91: {  	s19 =	sld [smem:$0x3FC8]  }
0x92: {  	s4 =	sld [smem:$0x3FD0];
	(tm) =	ssettm $0x1  }
0x93: {  	s5 =	sld [smem:$0x3FFB];
	_ =	sdelay $0x3  }
0x94: {  	_ =	strace s5  }
0x95: {  	s5 =	sld [smem:$0x3FFC];
	_ =	sdelay $0x3  }
0x96: {  	_ =	strace s5  }
0x97: {  	s5 =	sld [smem:$0x3FFD];
	_ =	sdelay $0x3  }
0x98: {  	_ =	strace s5  }
0x99: {  	_ =	strace $0x8FFFFFFF  }
0x9a: {  	s20 =	sld [smem:$0x3FDB];
	_ =	sdelay $0x1  }
0x9b: {  	s6 =	simm.s32 $_scs_section_size  }
0x9c: {  	s7 =	simm.s32 $_size__tile_overlayer_lowered;
	s8 =	simm.s32 $_tile_overlayer_lowered  }
0x9d: {  	s23 =	simm.s32 $0x1BFF;
	s22 =	sshll.u32 s8, $0x1;
	s5 =	sadd.s32 s6, s20  }
0x9e: {  	s9 =	simm.s32 $0x0;
	s21 =	sshll.u32 s7, $0x1;
	s7 =	sadd.s32 s22, s5  }
0x9f: {  	[timem:s9], [sflag:s23] =	dma.local [hbm:s7], s21  }
0xa0: {  	_ =	swait.ge [sflag:s23], s21  }
0xa1: {  	s6 =	ssub.s32 $0x0, s21;
	[sflag:s23] =	ssyncset.done $0x0  }
0xa2: {  	[sflag:s23] =	ssyncadd.s32 s6;
	_ =	sdelay $0x1  }
0xa3: {  	s24 =	simm.s32 $0x1B8B  }
0xa4: {  	_ =	swait.ge [sflag:s24], $0x1  }
0xa5: {  	[sflag:s24] =	ssyncset.done $0x0  }
0xa6: {  	s25 =	simm.s32 $0x1B8E;
	[sflag:s24] =	ssyncadd.s32 $0xFFFFFFFF  }
0xa7: {  	s26 =	simm.s32 $execute0_lowered;
	[smem:$0x3FD2] =	sst s25  }
0xa8: {  	s6 =	sshll.u32 s26, $0x1;
	_ =	strace $0x80000046;
	[dreg:$0x1] =	wrdreg $0xFFFFFFFF  }
0xa9: {  	s28 =	simm.s32 $_size_execute0_lowered;
	s5 =	sadd.s32 s5, s6;
	[dreg:$0x0] =	wrdreg $0x0  }
0xaa: {  	s6 =	sshll.u32 s28, $0x1;
	[dreg:$0x2] =	wrdreg s5  }
0xab: {  	[dreg:$0x3] =	wrdreg s6  }
0xac: {  	[dreg:$0x4] =	wrdreg $0xC0  }
0xad: {  	_ =	task [dreg:s9], $0x5FFFF  }
0xae: {  	[dreg:$0x1] =	wrdreg $0xFFFFFFFF  }
0xaf: {  	[dreg:$0x0] =	wrdreg $0x60  }
0xb0: {  	[dreg:$0x2] =	wrdreg s2  }
0xb1: {  	[dreg:$0x3] =	wrdreg s19  }
0xb2: {  	[dreg:$0x4] =	wrdreg s4  }
0xb3: {  	[dreg:$0x5] =	wrdreg $0x9  }
0xb4: {  	_ =	task.clear_ibuf [dreg:s9], $0x6FFFF;
	_ =	strace $0x90000046  }
0xb5: {  	s29 =	simm.s32 $0x9;
	_ =	strace $0x80000048  }
0xb6: {  	_ =	swait.ge [sflag:s29], $0x1  }
0xb7: {  	[sflag:s29] =	ssyncadd.s32 $0xFFFFFFFF  }
0xb8: {  	_ =	strace $0x90000048  }
0xb9: {  	_ =	sfence  }
0xba: {  	s30 =	sld [smem:$0x0];
	_ =	sdelay $0x2  }
0xbb: {  	s31 =	sshll.u32 s1, $0xD;
	s1 =	sshrl.u32 s1, $0x2  }
0xbc: {  	s3 =	sand.u32 $0x4000, s31;
	s1 =	sadd.s32 s1, s30  }
0xbd: {  	s0 =	sor.u32 s3, s0;
	s1 =	sshll.u32 s1, $0x11  }
0xbe: {  	s0 =	sor.u32 s1, s0  }
0xbf: {  	s0 =	sadd.s32 $0x8F2B, s0  }
0xc0: {  	[sflag:s0] =	ssyncadd.remote.s32 $0x1  }
0xc1: {  	_ =	sfence.sel $0xFFFF  }
0xc2: {  	[dreg:$0x0] =	wrdreg $0xFFFFFFFF;
	(pc) =	sbr.abs _section_cstart, $3  }
0xc3: {  	[dreg:$0x1] =	wrdreg $0xFFFFFFFF  }
0xc4: {  	_ =	task.clear_ibuf [dreg:s9], $0x2FFFF;
	_ =	strace $0x9FFFFFFF  }
0xc5: {  	(tm) =	ssettm $0x7FFFFFFF  }
tec
execute0_lowered:
.L_overlay_start_1:
0x0: {  	(tag) =	ssettag $0x1  }
0x1: {  	s1 =	rddreg [dreg:$0x0]  }
0x2: {  	s2 =	rddreg [dreg:$0x1]  }
0x3: {  	s5 =	rddreg [dreg:$0x2]  }
0x4: {  	s0 =	rddreg [dreg:$0x3];
	s4 =	simm.s32 $0x0;
	s6 =	srdreg.scid  }
0x5: {  	s3 =	stileid.u32;
	s11 =	simm.s32 $0x2;
	[smem:$0x7FF] =	sst s4  }
0x6: {  	s6 =	sand.u32 $0x1, s6;
	s8 =	sshll.u32 s3, $0xB;
	s9 =	sshrl.u32 s3, $0x2  }
0x7: {  	s7 =	ssub.s32 $0x2, s6;
	s6 =	sshll.u32 s6, $0xA;
	s8 =	sand.u32 $0x1800, s8  }
0x8: {  	s10 =	sshll.u32 s9, $0x4;
	_ =	strace $0x80000047;
	s5 =	sadd.s32 s5, s6  }
0x9: {  	v0 =	vmov s9;
	s9 =	simm.s32 $0x200;
	s31 =	sshrl.u32 s7, $0x1;
	s5 =	sadd.s32 s8, s5  }
0xa: {  	v1 =	vimm.f32 $1.000000000e+00;
	s6 =	ssub.s32 s7, s31;
	s7 =	simm.s32 $0x80;
	s8 =	simm.s32 $0x1  }
0xb: {  	v1 =	vand.u32 $0x7FFFFFFF, v1;
	s5 =	sadd.s32 s10, s5;
	s6 =	smax.u32 s6, $0x1;
	s10 =	simm.s32 $0x100  }
.LBB2_1:
0xc: {  	[tilespmem:s4], [sflag:$0x1] =	stream.linear.gather [hbm4b:s1+s4], $0x80, $0x38;
	[tilespmem:$0x900] =	vst v63  }
0xd: {  	_ = 	snop  }
0xe: {  	[tilespmem:s7], [sflag:$0x1] =	stream.linear.gather [hbm4b:s2+s4], $0x80, $0x38;
	[tilespmem:$0x900] =	vst v63  }
0xf: {  	_ =	swait.ge [sflag:s8], $0x80  }
0x10: {  	[sflag:s8] =	ssyncset.done $0x0  }
0x11: {  	[sflag:s8] =	ssyncadd.s32 $0xFFFFFF80  }
0x12: {  	_ =	swait.ge [sflag:s8], $0x80  }
0x13: {  	[sflag:s8] =	ssyncset.done $0x0  }
0x14: {  	[sflag:s8] =	ssyncadd.s32 $0xFFFFFF80  }
0x15: {  	v2 =	vld.idx.msk [tilespmem:v0+s4+$0x0], $0xffff  }
0x16: {  	v3 =	vld.idx.msk [tilespmem:v0+s7+$0x0], $0xffff;
	_ =	sdelay $0x3  }
0x17: {  	vm0 =	vlt.f32 v2, $0.0e+00  }
0x18: {  	vm1 =	vgt.f32 v2, $0.0e+00;
	v4 =	vand.u32 $0x80000000, v2;
	v5 =	vand.u32 $0x80000000, v3  }
0x19: {  	vm15 =	vlt.f32 v3, $0.0e+00;
	vm2 =	vgt.f32 v3, $0.0e+00;
	vm0 =	vmor vm1, vm0  }
0x1a: {  	vm1 =	vmor vm2, vm15;
	v4 =	vor.u32 v4, v1;
	v5 =	vor.u32 v5, v1  }
0x1b: {  	v2 =	vsel vm0, v4, v2;
	v3 =	vsel vm1, v5, v3  }
0x1c: {  	v2 =	vmul.f32 v3, v2;
	_ =	sdelay $0x1  }
0x1d: {  	[tilespmem:$0x100] =	vst v2  }
0x1e: {  	[tilespmem:$0x110] =	vst v2  }
0x1f: {  	[tilespmem:$0x120] =	vst v2  }
0x20: {  	[tilespmem:$0x130] =	vst v2  }
0x21: {  	[tilespmem:$0x140] =	vst v2  }
0x22: {  	[tilespmem:$0x150] =	vst v2  }
0x23: {  	[tilespmem:$0x160] =	vst v2  }
0x24: {  	[tilespmem:$0x170] =	vst v2  }
0x25: {  	[tilespmem:$0x180] =	vst v2  }
0x26: {  	[tilespmem:$0x190] =	vst v2  }
0x27: {  	[tilespmem:$0x1A0] =	vst v2  }
0x28: {  	[tilespmem:$0x1B0] =	vst v2  }
0x29: {  	[tilespmem:$0x1C0] =	vst v2  }
0x2a: {  	[tilespmem:$0x1D0] =	vst v2  }
0x2b: {  	[tilespmem:$0x1E0] =	vst v2  }
0x2c: {  	[tilespmem:$0x1F0] =	vst v2  }
0x2d: {  	[tilespmem:$0x200] =	vst v2  }
0x2e: {  	[tilespmem:$0x210] =	vst v2  }
0x2f: {  	[tilespmem:$0x220] =	vst v2  }
0x30: {  	[tilespmem:$0x230] =	vst v2  }
0x31: {  	[tilespmem:$0x240] =	vst v2  }
0x32: {  	[tilespmem:$0x250] =	vst v2  }
0x33: {  	[tilespmem:$0x260] =	vst v2  }
0x34: {  	[tilespmem:$0x270] =	vst v2  }
0x35: {  	[tilespmem:$0x280] =	vst v2  }
0x36: {  	[tilespmem:$0x290] =	vst v2  }
0x37: {  	[tilespmem:$0x2A0] =	vst v2  }
0x38: {  	[tilespmem:$0x2B0] =	vst v2  }
0x39: {  	[tilespmem:$0x2C0] =	vst v2  }
0x3a: {  	[tilespmem:$0x2D0] =	vst v2  }
0x3b: {  	[tilespmem:$0x2E0] =	vst v2  }
0x3c: {  	[tilespmem:$0x2F0] =	vst v2  }
0x3d: {  	[tilespmem:$0x300] =	vst v2  }
0x3e: {  	[tilespmem:$0x310] =	vst v2  }
0x3f: {  	[tilespmem:$0x320] =	vst v2  }
0x40: {  	[tilespmem:$0x330] =	vst v2  }
0x41: {  	[tilespmem:$0x340] =	vst v2  }
0x42: {  	[tilespmem:$0x350] =	vst v2  }
0x43: {  	[tilespmem:$0x360] =	vst v2  }
0x44: {  	[tilespmem:$0x370] =	vst v2  }
0x45: {  	[tilespmem:$0x380] =	vst v2  }
0x46: {  	[tilespmem:$0x390] =	vst v2  }
0x47: {  	[tilespmem:$0x3A0] =	vst v2  }
0x48: {  	[tilespmem:$0x3B0] =	vst v2  }
0x49: {  	[tilespmem:$0x3C0] =	vst v2  }
0x4a: {  	[tilespmem:$0x3D0] =	vst v2  }
0x4b: {  	[tilespmem:$0x3E0] =	vst v2  }
0x4c: {  	[tilespmem:$0x3F0] =	vst v2  }
0x4d: {  	[tilespmem:$0x400] =	vst v2  }
0x4e: {  	[tilespmem:$0x410] =	vst v2  }
0x4f: {  	[tilespmem:$0x420] =	vst v2  }
0x50: {  	[tilespmem:$0x430] =	vst v2  }
0x51: {  	[tilespmem:$0x440] =	vst v2  }
0x52: {  	[tilespmem:$0x450] =	vst v2  }
0x53: {  	[tilespmem:$0x460] =	vst v2  }
0x54: {  	[tilespmem:$0x470] =	vst v2  }
0x55: {  	[tilespmem:$0x480] =	vst v2  }
0x56: {  	[tilespmem:$0x490] =	vst v2  }
0x57: {  	[tilespmem:$0x4A0] =	vst v2  }
0x58: {  	[tilespmem:$0x4B0] =	vst v2  }
0x59: {  	[tilespmem:$0x4C0] =	vst v2  }
0x5a: {  	[tilespmem:$0x4D0] =	vst v2  }
0x5b: {  	[tilespmem:$0x4E0] =	vst v2  }
0x5c: {  	[tilespmem:$0x4F0] =	vst v2  }
0x5d: {  	[tilespmem:$0x500] =	vst v2  }
0x5e: {  	[tilespmem:$0x510] =	vst v2  }
0x5f: {  	[tilespmem:$0x520] =	vst v2  }
0x60: {  	[tilespmem:$0x530] =	vst v2  }
0x61: {  	[tilespmem:$0x540] =	vst v2  }
0x62: {  	[tilespmem:$0x550] =	vst v2  }
0x63: {  	[tilespmem:$0x560] =	vst v2  }
0x64: {  	[tilespmem:$0x570] =	vst v2  }
0x65: {  	[tilespmem:$0x580] =	vst v2  }
0x66: {  	[tilespmem:$0x590] =	vst v2  }
0x67: {  	[tilespmem:$0x5A0] =	vst v2  }
0x68: {  	[tilespmem:$0x5B0] =	vst v2  }
0x69: {  	[tilespmem:$0x5C0] =	vst v2  }
0x6a: {  	[tilespmem:$0x5D0] =	vst v2  }
0x6b: {  	[tilespmem:$0x5E0] =	vst v2  }
0x6c: {  	[tilespmem:$0x5F0] =	vst v2  }
0x6d: {  	[tilespmem:$0x600] =	vst v2  }
0x6e: {  	[tilespmem:$0x610] =	vst v2  }
0x6f: {  	[tilespmem:$0x620] =	vst v2  }
0x70: {  	[tilespmem:$0x630] =	vst v2  }
0x71: {  	[tilespmem:$0x640] =	vst v2  }
0x72: {  	[tilespmem:$0x650] =	vst v2  }
0x73: {  	[tilespmem:$0x660] =	vst v2  }
0x74: {  	[tilespmem:$0x670] =	vst v2  }
0x75: {  	[tilespmem:$0x680] =	vst v2  }
0x76: {  	[tilespmem:$0x690] =	vst v2  }
0x77: {  	[tilespmem:$0x6A0] =	vst v2  }
0x78: {  	[tilespmem:$0x6B0] =	vst v2  }
0x79: {  	[tilespmem:$0x6C0] =	vst v2  }
0x7a: {  	[tilespmem:$0x6D0] =	vst v2  }
0x7b: {  	[tilespmem:$0x6E0] =	vst v2  }
0x7c: {  	[tilespmem:$0x6F0] =	vst v2  }
0x7d: {  	[tilespmem:$0x700] =	vst v2  }
0x7e: {  	[tilespmem:$0x710] =	vst v2  }
0x7f: {  	[tilespmem:$0x720] =	vst v2  }
0x80: {  	[tilespmem:$0x730] =	vst v2  }
0x81: {  	[tilespmem:$0x740] =	vst v2  }
0x82: {  	[tilespmem:$0x750] =	vst v2  }
0x83: {  	[tilespmem:$0x760] =	vst v2  }
0x84: {  	[tilespmem:$0x770] =	vst v2  }
0x85: {  	[tilespmem:$0x780] =	vst v2  }
0x86: {  	[tilespmem:$0x790] =	vst v2  }
0x87: {  	[tilespmem:$0x7A0] =	vst v2  }
0x88: {  	[tilespmem:$0x7B0] =	vst v2  }
0x89: {  	[tilespmem:$0x7C0] =	vst v2  }
0x8a: {  	[tilespmem:$0x7D0] =	vst v2  }
0x8b: {  	[tilespmem:$0x7E0] =	vst v2  }
0x8c: {  	[tilespmem:$0x7F0] =	vst v2  }
0x8d: {  	[tilespmem:$0x800] =	vst v2  }
0x8e: {  	[tilespmem:$0x810] =	vst v2  }
0x8f: {  	[tilespmem:$0x820] =	vst v2  }
0x90: {  	[tilespmem:$0x830] =	vst v2  }
0x91: {  	[tilespmem:$0x840] =	vst v2  }
0x92: {  	[tilespmem:$0x850] =	vst v2  }
0x93: {  	[tilespmem:$0x860] =	vst v2  }
0x94: {  	[tilespmem:$0x870] =	vst v2  }
0x95: {  	[tilespmem:$0x880] =	vst v2  }
0x96: {  	[tilespmem:$0x890] =	vst v2  }
0x97: {  	[tilespmem:$0x8A0] =	vst v2  }
0x98: {  	[tilespmem:$0x8B0] =	vst v2  }
0x99: {  	[tilespmem:$0x8C0] =	vst v2  }
0x9a: {  	[tilespmem:$0x8D0] =	vst v2  }
0x9b: {  	p0 =	sne.s32 s6, $0x1;
	[tilespmem:$0x8E0] =	vst v2  }
.Ltmp0:
0x9c: {  	[tilespmem:$0x8F0] =	vst v2;
	(pc) =	sbr.rel @p0 .LBB2_1-.Ltmp0, $4  }
0x9d: {  	[hbm4b:s5+s7] =	stream.strided.scatter [tilespmem:s10], [sflag:$0x2], $0x800, s9, s7, $0x38;
	[tilespmem:$0x900] =	vst v63  }
0x9e: {  	_ =	swait.ge [sflag:s11], $0x800  }
0x9f: {  	[sflag:s11] =	ssyncset.done $0x0  }
0xa0: {  	s6 =	sadd.s32 $0xFFFFFFFF, s6;
	[sflag:s11] =	ssyncadd.s32 $0xFFFFF800  }
0xa1: {  	_ =	sfence.sel $0x180000  }
0xa2: {  	[bflag:$0x0] =	sbarrier.arrive $0xFFFF  }
0xa3: {  	p0 =	sne.s32 s3, $0x0;
	_ =	strace $0x90000047  }
0xa4: {  	s0 =	sadd.s32 @!p0 $0x100000, s0;
	[bflag:$0x2] =	sbarrier.arrive $0xFFFF  }
0xa5: {  	[sflag:s0] =	ssyncadd.tile.s32 @!p0 $0x1;
	_ =	shalt  }
.Lfunc_end2:
_tile_overlayer_lowered:
.L_overlay_start_2:
0xa6: {  	(tag) =	ssettag $0x2  }
0xa7: {  	s0 =	rddreg [dreg:$0x0];
	s2 =	stileid.u32  }
0xa8: {  	s1 =	rddreg [dreg:$0x1];
	p0 =	sne.s32 s2, $0x0  }
0xa9: {  	s3 =	rddreg [dreg:$0x2];
	[bflag:$0x3] =	sbarrier.arrive $0xFFFF;
	s2 =	simm.s32 @!p0 $0x1C02  }
0xaa: {  	[timem:s3], [sflag:s2] =	dma.local @!p0 [hbm:s0], s1  }
0xab: {  	s0 =	simm.s32 @!p0 $0x2  }
0xac: {  	_ =	swait.ge @!p0 [sflag:s0], s1  }
0xad: {  	s1 =	ssub.s32 @!p0 $0x0, s1;
	[sflag:s0] =	ssyncset.done @!p0 $0x0  }
0xae: {  	[sflag:s0] =	ssyncadd.s32 @!p0 s1  }
0xaf: {  	[bflag:$0x3] =	sbarrier.arrive $0xFFFF  }
0xb0: {  	_ =	shalt  }

</sc_bundles>
